<compile_context>
chip_gen: v7x
topology: tpu7x:2x2x1
jax: 0.10.2.dev20260603
libtpu: 0.0.44.dev20260713+nightly
codegen_flags: <defaults>
</compile_context>

<pallas_src>
import functools

import jax
import jax.numpy as jnp
from jax import lax
from jax.experimental import pallas as pl
from jax.experimental.pallas import tpu as pltpu
from jax.experimental.pallas import tpu_sc as plsc

_NC = 2
_NS = 16
_NW = _NC * _NS

_EMBED = 128
_GROUP = 160


def _proj_body(table_ref, w_ref, b_ref, out_ref):
    out_ref[...] = (
        jnp.dot(table_ref[...], w_ref[...], preferred_element_type=jnp.float32)
        + b_ref[...]
    )


def _project_table(table, W, b):
    V, _ = table.shape
    E = W.shape[1]
    return pl.pallas_call(
        _proj_body,
        out_shape=jax.ShapeDtypeStruct((V, E), jnp.float32),
    )(table, W, b.reshape(1, E))


def _make_gather(B, E, V):
    assert B % (_NW * _GROUP) == 0
    b_per_w = B // _NW
    n_groups = b_per_w // _GROUP
    assert n_groups % 2 == 0 and n_groups >= 8
    v_span = (V + _NS * 8 - 1) // (_NS * 8) * 8
    v_last = V - v_span * (_NS - 1)
    assert 0 < v_last <= v_span and v_last % 8 == 0
    mesh = plsc.VectorSubcoreMesh(
        core_axis_name="c", subcore_axis_name="s",
        num_cores=_NC, num_subcores=_NS,
    )

    @functools.partial(
        pl.kernel,
        mesh=mesh,
        out_type=jax.ShapeDtypeStruct((B, E), jnp.float32),
        scratch_types=[
            pltpu.VMEM((_GROUP,), jnp.int32),
            pltpu.VMEM((_GROUP,), jnp.int32),
            pltpu.VMEM((_GROUP, E), jnp.float32),
            pltpu.VMEM((_GROUP, E), jnp.float32),
            pltpu.VMEM_SHARED((V, E), jnp.float32),
            pltpu.SemaphoreType.DMA,
            pltpu.SemaphoreType.DMA,
            pltpu.SemaphoreType.DMA,
            pltpu.SemaphoreType.DMA,
            pltpu.SemaphoreType.DMA,
            pltpu.SemaphoreType.DMA,
        ],
    )
    def gather_kernel(idx_hbm, proj_hbm, out_hbm,
                      idx_a, idx_b, rows_a, rows_b, proj_sp,
                      si0, si1, sg0, sg1, ss0, ss1):
        idx = [idx_a, idx_b]
        rows = [rows_a, rows_b]
        sem_i = [si0, si1]
        sem_g = [sg0, sg1]
        sem_st = [ss0, ss1]
        sid = lax.axis_index("s")
        wid = sid * _NC + lax.axis_index("c")
        base = wid * b_per_w

        pltpu.async_copy(idx_hbm.at[pl.ds(base, _GROUP)], idx_a, si0)
        pltpu.async_copy(idx_hbm.at[pl.ds(base + _GROUP, _GROUP)], idx_b, si1)

        r0 = sid * v_span

        @pl.when(sid < _NS - 1)
        def _():
            pltpu.sync_copy(proj_hbm.at[pl.ds(r0, v_span)],
                            proj_sp.at[pl.ds(r0, v_span)])

        @pl.when(sid == _NS - 1)
        def _():
            pltpu.sync_copy(proj_hbm.at[pl.ds(v_span * (_NS - 1), v_last)],
                            proj_sp.at[pl.ds(v_span * (_NS - 1), v_last)])

        plsc.subcore_barrier()

        def fire_idx(g, p):
            pltpu.async_copy(
                idx_hbm.at[pl.ds(base + g * _GROUP, _GROUP)],
                idx[p], sem_i[p])

        def wait_idx(g, p):
            pltpu.make_async_copy(
                idx_hbm.at[pl.ds(base + g * _GROUP, _GROUP)],
                idx[p], sem_i[p]).wait()

        def fire_gathers(g, p):
            pltpu.async_copy(proj_sp.at[idx[p]], rows[p], sem_g[p])

        def wait_gathers(g, p):
            pltpu.make_async_copy(
                proj_sp.at[idx[p]], rows[p], sem_g[p]).wait()

        def fire_store(g, p):
            pltpu.async_copy(
                rows[p], out_hbm.at[pl.ds(base + g * _GROUP, _GROUP)],
                sem_st[p])

        def wait_store(g, p):
            pltpu.make_async_copy(
                rows[p], out_hbm.at[pl.ds(base + g * _GROUP, _GROUP)],
                sem_st[p]).wait()

        wait_idx(0, 0)
        fire_gathers(0, 0)
        wait_idx(1, 1)
        fire_gathers(1, 1)
        wait_gathers(0, 0)
        fire_idx(2, 0)
        fire_store(0, 0)

        def pair(t, carry):
            g = 2 * t
            wait_store(g - 2, 0)
            wait_idx(g, 0)
            fire_gathers(g, 0)
            wait_gathers(g - 1, 1)
            fire_idx(g + 1, 1)
            fire_store(g - 1, 1)
            wait_store(g - 1, 1)
            wait_idx(g + 1, 1)
            fire_gathers(g + 1, 1)
            wait_gathers(g, 0)
            fire_idx(g + 2, 0)
            fire_store(g, 0)
            return carry

        lax.fori_loop(1, n_groups // 2 - 1, pair, 0)

        g = n_groups - 2
        wait_store(g - 2, 0)
        wait_idx(g, 0)
        fire_gathers(g, 0)
        wait_gathers(g - 1, 1)
        fire_idx(g + 1, 1)
        fire_store(g - 1, 1)
        wait_store(g - 1, 1)
        wait_idx(g + 1, 1)
        fire_gathers(g + 1, 1)
        wait_gathers(g, 0)
        fire_store(g, 0)
        wait_gathers(g + 1, 1)
        fire_store(g + 1, 1)
        wait_store(g, 0)
        wait_store(g + 1, 1)

    return gather_kernel


def kernel(X, table, W, b):
    Bt, S = X.shape
    V = table.shape[0]
    proj = _project_table(table, W, b)
    idx = X.reshape(-1).astype(jnp.int32)
    out = _make_gather(idx.shape[0], _EMBED, V)(idx, proj)
    return out.reshape(Bt, S, _EMBED)

# --- scband reference (transcript-rebuilt; emitter-appended) ---
"""Pipeline reference for scband-embedding-glove-75393855914292 (READ-ONLY COPY).

The authoritative reference and input builder live on the scoring server;
editing this copy changes nothing except your own understanding.
"""

import jax, jax.numpy as jnp
import numpy as np

DIM = 100
EMBED_SIZE = 128
TABLE_ROWS = 11000
BATCH = 4096
SEQ = 200

def setup_inputs(seed: int = 0) -> dict:
    key = jax.random.key(seed)
    k1, k2, k3, k4 = jax.random.split(key, 4)
    X = jax.random.randint(k1, (BATCH, SEQ), 0, TABLE_ROWS, dtype=jnp.int64 if jax.config.read('jax_enable_x64') else jnp.int32)
    # learned embedding table (normal mean=0 std=0.1 as in the torch module)
    table = 0.1 * jax.random.normal(k2, (TABLE_ROWS, DIM), dtype=jnp.float32)
    # linear layer params
    lim = 1.0 / np.sqrt(DIM)
    W = jax.random.uniform(k3, (DIM, EMBED_SIZE), minval=-lim, maxval=lim, dtype=jnp.float32)
    b = jax.random.uniform(k4, (EMBED_SIZE,), minval=-lim, maxval=lim, dtype=jnp.float32)
    return {"X": X, "table": table, "W": W, "b": b}

def reference(X, table, W, b):
    # Faithful translation: per-token embedding lookup (glove/trainable table
    # unified into one table of 11000 rows), then Linear(dim -> embedding_size),
    # dropout in eval mode is identity.
    Y = jnp.take(table, X, axis=0)          # (B, L, dim)
    out = jnp.dot(Y, W) + b                  # (B, L, embedding_size)
    return out

if __name__ == "__main__":
    import jax
    _d = setup_inputs()
    print(jax.jit(kernel)(*tuple(_d.values())))

</pallas_src>

<mosaic_0001>
#map = affine_map<(d0, d1) -> (0)>
#map1 = affine_map<(d0, d1) -> (0, 0)>
module attributes {stable_mosaic.version = 14 : i64} {
  func.func @gather_kernel(%arg0: i32, %arg1: i32, %arg2: memref<819200xi32, #tpu.memory_space<hbm>>, %arg3: memref<11000x128xf32, #tpu.memory_space<hbm>>, %arg4: memref<819200x128xf32, #tpu.memory_space<hbm>>, %arg5: memref<160xi32, #tpu.memory_space<vmem>>, %arg6: memref<160xi32, #tpu.memory_space<vmem>>, %arg7: memref<160x128xf32, #tpu.memory_space<vmem>>, %arg8: memref<160x128xf32, #tpu.memory_space<vmem>>, %arg9: memref<11000x128xf32, #tpu.memory_space<vmem_shared>>, %arg10: memref<!tpu.dma_semaphore, #tpu.memory_space<semaphore_mem>>, %arg11: memref<!tpu.dma_semaphore, #tpu.memory_space<semaphore_mem>>, %arg12: memref<!tpu.dma_semaphore, #tpu.memory_space<semaphore_mem>>, %arg13: memref<!tpu.dma_semaphore, #tpu.memory_space<semaphore_mem>>, %arg14: memref<!tpu.dma_semaphore, #tpu.memory_space<semaphore_mem>>, %arg15: memref<!tpu.dma_semaphore, #tpu.memory_space<semaphore_mem>>) attributes {dimension_semantics = [#tpu.dimension_semantics<core_parallel>, #tpu.dimension_semantics<subcore_parallel>], iteration_bounds = array<i64: 2, 16>, scalar_prefetch = 0 : i64, scratch_operands = 11 : i64, tpu.core_type = #tpu.core_type<sc_vector_subcore>, window_params = [{transform_indices = #map}, {transform_indices = #map1}, {transform_indices = #map1}]} {
    %mul3A = arith.constant 2 : i32
    %mul3A_0 = arith.muli %arg1, %mul3A : i32
    %add3A = arith.addi %mul3A_0, %arg0 : i32
    %mul3A_1 = arith.constant 25600 : i32
    %mul3A_2 = arith.muli %add3A, %mul3A_1 : i32
    %dma_start3A = tpu.memref_slice %arg2[%mul3A_2] : memref<819200xi32, #tpu.memory_space<hbm>> -> memref<160xi32, #tpu.memory_space<hbm>>
    %dma_start3A_3 = tpu.memref_slice %arg2[%mul3A_2] : memref<819200xi32, #tpu.memory_space<hbm>> -> memref<160xi32, #tpu.memory_space<hbm>>
    tpu.enqueue_dma source(%dma_start3A_3 : memref<160xi32, #tpu.memory_space<hbm>>) target(%arg5 : memref<160xi32, #tpu.memory_space<vmem>>) target_semaphore(%arg10 : memref<!tpu.dma_semaphore, #tpu.memory_space<semaphore_mem>>)
    %add3A_4 = arith.constant 160 : i32
    %add3A_5 = arith.addi %mul3A_2, %add3A_4 : i32
    %dma_start3A_6 = tpu.memref_slice %arg2[%add3A_5] : memref<819200xi32, #tpu.memory_space<hbm>> -> memref<160xi32, #tpu.memory_space<hbm>>
    %dma_start3A_7 = tpu.memref_slice %arg2[%add3A_5] : memref<819200xi32, #tpu.memory_space<hbm>> -> memref<160xi32, #tpu.memory_space<hbm>>
    tpu.enqueue_dma source(%dma_start3A_7 : memref<160xi32, #tpu.memory_space<hbm>>) target(%arg6 : memref<160xi32, #tpu.memory_space<vmem>>) target_semaphore(%arg11 : memref<!tpu.dma_semaphore, #tpu.memory_space<semaphore_mem>>)
    %mul3A_8 = arith.constant 688 : i32
    %mul3A_9 = arith.muli %arg1, %mul3A_8 : i32
    %lt3A = arith.constant 15 : i32
    %lt3A_10 = arith.cmpi slt, %arg1, %lt3A : i32
    %convert_element_type3A = arith.extui %lt3A_10 : i1 to i32
    %cond3A = arith.constant 0 : i32
    %cond3A_11 = arith.cmpi ne, %convert_element_type3A, %cond3A : i32
    scf.if %cond3A_11 {
      "tpu.region"() ({
        %run_scoped3A = tpu.sem_alloc : memref<!tpu.dma_semaphore, #tpu.memory_space<semaphore_mem>>
        %dma_start3A_116 = arith.constant 0 : i32
        %dma_start3A_117 = tpu.memref_slice %arg9[%mul3A_9, %dma_start3A_116] : memref<11000x128xf32, #tpu.memory_space<vmem_shared>> -> memref<688x128xf32, #tpu.memory_space<vmem_shared>>
        %dma_start3A_118 = arith.constant 0 : i32
        %dma_start3A_119 = tpu.memref_slice %arg3[%mul3A_9, %dma_start3A_118] : memref<11000x128xf32, #tpu.memory_space<hbm>> -> memref<688x128xf32, #tpu.memory_space<hbm>>
        tpu.enqueue_dma source(%dma_start3A_119 : memref<688x128xf32, #tpu.memory_space<hbm>>) target(%dma_start3A_117 : memref<688x128xf32, #tpu.memory_space<vmem_shared>>) target_semaphore(%run_scoped3A : memref<!tpu.dma_semaphore, #tpu.memory_space<semaphore_mem>>)
        %dma_wait3A_120 = arith.constant 0 : i32
        %dma_wait3A_121 = tpu.memref_slice %arg9[%mul3A_9, %dma_wait3A_120] : memref<11000x128xf32, #tpu.memory_space<vmem_shared>> -> memref<688x128xf32, #tpu.memory_space<vmem_shared>>
        %dma_wait3A_122 = arith.constant 0 : i32
        %dma_wait3A_123 = tpu.memref_slice %arg3[%mul3A_9, %dma_wait3A_122] : memref<11000x128xf32, #tpu.memory_space<hbm>> -> memref<688x128xf32, #tpu.memory_space<hbm>>
        tpu.wait_dma2 semaphore(%run_scoped3A : memref<!tpu.dma_semaphore, #tpu.memory_space<semaphore_mem>>) src(%dma_wait3A_123 : memref<688x128xf32, #tpu.memory_space<hbm>>) dst(%dma_wait3A_121 : memref<688x128xf32, #tpu.memory_space<vmem_shared>>)
        tpu.yield
      }) : () -> ()
    } else {
    }
    %eq3A = arith.constant 15 : i32
    %eq3A_12 = arith.cmpi eq, %arg1, %eq3A : i32
    %convert_element_type3A_13 = arith.extui %eq3A_12 : i1 to i32
    %cond3A_14 = arith.constant 0 : i32
    %cond3A_15 = arith.cmpi ne, %convert_element_type3A_13, %cond3A_14 : i32
    scf.if %cond3A_15 {
      "tpu.region"() ({
        %run_scoped3A = tpu.sem_alloc : memref<!tpu.dma_semaphore, #tpu.memory_space<semaphore_mem>>
        %dma_start3A_116 = arith.constant 10320 : i32
        %dma_start3A_117 = arith.constant 0 : i32
        %dma_start3A_118 = tpu.memref_slice %arg9[%dma_start3A_116, %dma_start3A_117] : memref<11000x128xf32, #tpu.memory_space<vmem_shared>> -> memref<680x128xf32, #tpu.memory_space<vmem_shared>>
        %dma_start3A_119 = arith.constant 10320 : i32
        %dma_start3A_120 = arith.constant 0 : i32
        %dma_start3A_121 = tpu.memref_slice %arg3[%dma_start3A_119, %dma_start3A_120] : memref<11000x128xf32, #tpu.memory_space<hbm>> -> memref<680x128xf32, #tpu.memory_space<hbm>>
        tpu.enqueue_dma source(%dma_start3A_121 : memref<680x128xf32, #tpu.memory_space<hbm>>) target(%dma_start3A_118 : memref<680x128xf32, #tpu.memory_space<vmem_shared>>) target_semaphore(%run_scoped3A : memref<!tpu.dma_semaphore, #tpu.memory_space<semaphore_mem>>)
        %dma_wait3A_122 = arith.constant 10320 : i32
        %dma_wait3A_123 = arith.constant 0 : i32
        %dma_wait3A_124 = tpu.memref_slice %arg9[%dma_wait3A_122, %dma_wait3A_123] : memref<11000x128xf32, #tpu.memory_space<vmem_shared>> -> memref<680x128xf32, #tpu.memory_space<vmem_shared>>
        %dma_wait3A_125 = arith.constant 10320 : i32
        %dma_wait3A_126 = arith.constant 0 : i32
        %dma_wait3A_127 = tpu.memref_slice %arg3[%dma_wait3A_125, %dma_wait3A_126] : memref<11000x128xf32, #tpu.memory_space<hbm>> -> memref<680x128xf32, #tpu.memory_space<hbm>>
        tpu.wait_dma2 semaphore(%run_scoped3A : memref<!tpu.dma_semaphore, #tpu.memory_space<semaphore_mem>>) src(%dma_wait3A_127 : memref<680x128xf32, #tpu.memory_space<hbm>>) dst(%dma_wait3A_124 : memref<680x128xf32, #tpu.memory_space<vmem_shared>>)
        tpu.yield
      }) : () -> ()
    } else {
    }
    %barrier3A = arith.constant 0 : index
    tpu.barrier barrier_id(%barrier3A)
    %add3A_16 = arith.constant 0 : i32
    %add3A_17 = arith.addi %mul3A_2, %add3A_16 : i32
    %dma_wait3A = tpu.memref_slice %arg2[%add3A_17] : memref<819200xi32, #tpu.memory_space<hbm>> -> memref<160xi32, #tpu.memory_space<hbm>>
    %dma_wait3A_18 = tpu.memref_slice %arg2[%add3A_17] : memref<819200xi32, #tpu.memory_space<hbm>> -> memref<160xi32, #tpu.memory_space<hbm>>
    tpu.wait_dma2 semaphore(%arg10 : memref<!tpu.dma_semaphore, #tpu.memory_space<semaphore_mem>>) src(%dma_wait3A_18 : memref<160xi32, #tpu.memory_space<hbm>>) dst(%arg5 : memref<160xi32, #tpu.memory_space<vmem>>)
    %dma_start3A_19 = arith.constant 0 : i32
    %dma_start3A_20 = arith.constant 0 : i32
    %dma_start3A_21 = tpu.memref_slice %arg9[%dma_start3A_19, %dma_start3A_20] : memref<11000x128xf32, #tpu.memory_space<vmem_shared>> -> memref<11000x128xf32, #tpu.memory_space<vmem_shared>>
    tpu.enqueue_indirect_dma source(%dma_start3A_21 : memref<11000x128xf32, #tpu.memory_space<vmem_shared>>) target(%arg7 : memref<160x128xf32, #tpu.memory_space<vmem>>) offsets(%arg5 : memref<160xi32, #tpu.memory_space<vmem>>) semaphore(%arg12 : memref<!tpu.dma_semaphore, #tpu.memory_space<semaphore_mem>>)
    %add3A_22 = arith.constant 160 : i32
    %add3A_23 = arith.addi %mul3A_2, %add3A_22 : i32
    %dma_wait3A_24 = tpu.memref_slice %arg2[%add3A_23] : memref<819200xi32, #tpu.memory_space<hbm>> -> memref<160xi32, #tpu.memory_space<hbm>>
    %dma_wait3A_25 = tpu.memref_slice %arg2[%add3A_23] : memref<819200xi32, #tpu.memory_space<hbm>> -> memref<160xi32, #tpu.memory_space<hbm>>
    tpu.wait_dma2 semaphore(%arg11 : memref<!tpu.dma_semaphore, #tpu.memory_space<semaphore_mem>>) src(%dma_wait3A_25 : memref<160xi32, #tpu.memory_space<hbm>>) dst(%arg6 : memref<160xi32, #tpu.memory_space<vmem>>)
    %dma_start3A_26 = arith.constant 0 : i32
    %dma_start3A_27 = arith.constant 0 : i32
    %dma_start3A_28 = tpu.memref_slice %arg9[%dma_start3A_26, %dma_start3A_27] : memref<11000x128xf32, #tpu.memory_space<vmem_shared>> -> memref<11000x128xf32, #tpu.memory_space<vmem_shared>>
    tpu.enqueue_indirect_dma source(%dma_start3A_28 : memref<11000x128xf32, #tpu.memory_space<vmem_shared>>) target(%arg8 : memref<160x128xf32, #tpu.memory_space<vmem>>) offsets(%arg6 : memref<160xi32, #tpu.memory_space<vmem>>) semaphore(%arg13 : memref<!tpu.dma_semaphore, #tpu.memory_space<semaphore_mem>>)
    %dma_wait3A_29 = arith.constant 0 : i32
    %dma_wait3A_30 = arith.constant 0 : i32
    %dma_wait3A_31 = tpu.memref_slice %arg9[%dma_wait3A_29, %dma_wait3A_30] : memref<11000x128xf32, #tpu.memory_space<vmem_shared>> -> memref<11000x128xf32, #tpu.memory_space<vmem_shared>>
    tpu.wait_indirect_dma semaphore(%arg12 : memref<!tpu.dma_semaphore, #tpu.memory_space<semaphore_mem>>) src(%dma_wait3A_31 : memref<11000x128xf32, #tpu.memory_space<vmem_shared>>) dst(%arg7 : memref<160x128xf32, #tpu.memory_space<vmem>>)
    %add3A_32 = arith.constant 320 : i32
    %add3A_33 = arith.addi %mul3A_2, %add3A_32 : i32
    %dma_start3A_34 = tpu.memref_slice %arg2[%add3A_33] : memref<819200xi32, #tpu.memory_space<hbm>> -> memref<160xi32, #tpu.memory_space<hbm>>
    %dma_start3A_35 = tpu.memref_slice %arg2[%add3A_33] : memref<819200xi32, #tpu.memory_space<hbm>> -> memref<160xi32, #tpu.memory_space<hbm>>
    tpu.enqueue_dma source(%dma_start3A_35 : memref<160xi32, #tpu.memory_space<hbm>>) target(%arg5 : memref<160xi32, #tpu.memory_space<vmem>>) target_semaphore(%arg10 : memref<!tpu.dma_semaphore, #tpu.memory_space<semaphore_mem>>)
    %add3A_36 = arith.constant 0 : i32
    %add3A_37 = arith.addi %mul3A_2, %add3A_36 : i32
    %dma_start3A_38 = arith.constant 0 : i32
    %dma_start3A_39 = tpu.memref_slice %arg4[%add3A_37, %dma_start3A_38] : memref<819200x128xf32, #tpu.memory_space<hbm>> -> memref<160x128xf32, #tpu.memory_space<hbm>>
    %dma_start3A_40 = arith.constant 0 : i32
    %dma_start3A_41 = tpu.memref_slice %arg4[%add3A_37, %dma_start3A_40] : memref<819200x128xf32, #tpu.memory_space<hbm>> -> memref<160x128xf32, #tpu.memory_space<hbm>>
    tpu.enqueue_dma source(%arg7 : memref<160x128xf32, #tpu.memory_space<vmem>>) target(%dma_start3A_41 : memref<160x128xf32, #tpu.memory_space<hbm>>) target_semaphore(%arg14 : memref<!tpu.dma_semaphore, #tpu.memory_space<semaphore_mem>>)
    %scan3A = arith.constant 0 : i32
    %scan3A_42 = arith.constant 1 : i32
    %scan3A_43 = arith.constant 78 : i32
    %scan3A_44 = arith.addi %scan3A_42, %scan3A_43 : i32
    %scan3A_45 = arith.constant 1 : i32
    scf.for %scan3A_116 = %scan3A_42 to %scan3A_44 step %scan3A_45  : i32 {
      %mul3A_117 = arith.constant 2 : i32
      %mul3A_118 = arith.muli %mul3A_117, %scan3A_116 : i32
      %sub3A = arith.constant 2 : i32
      %sub3A_119 = arith.subi %mul3A_118, %sub3A : i32
      %mul3A_120 = arith.constant 160 : i32
      %mul3A_121 = arith.muli %sub3A_119, %mul3A_120 : i32
      %add3A_122 = arith.addi %mul3A_2, %mul3A_121 : i32
      %dma_wait3A_123 = arith.constant 0 : i32
      %dma_wait3A_124 = tpu.memref_slice %arg4[%add3A_122, %dma_wait3A_123] : memref<819200x128xf32, #tpu.memory_space<hbm>> -> memref<160x128xf32, #tpu.memory_space<hbm>>
      %dma_wait3A_125 = arith.constant 0 : i32
      %dma_wait3A_126 = tpu.memref_slice %arg4[%add3A_122, %dma_wait3A_125] : memref<819200x128xf32, #tpu.memory_space<hbm>> -> memref<160x128xf32, #tpu.memory_space<hbm>>
      tpu.wait_dma2 semaphore(%arg14 : memref<!tpu.dma_semaphore, #tpu.memory_space<semaphore_mem>>) src(%arg7 : memref<160x128xf32, #tpu.memory_space<vmem>>) dst(%dma_wait3A_126 : memref<160x128xf32, #tpu.memory_space<hbm>>)
      %mul3A_127 = arith.constant 160 : i32
      %mul3A_128 = arith.muli %mul3A_118, %mul3A_127 : i32
      %add3A_129 = arith.addi %mul3A_2, %mul3A_128 : i32
      %dma_wait3A_130 = tpu.memref_slice %arg2[%add3A_129] : memref<819200xi32, #tpu.memory_space<hbm>> -> memref<160xi32, #tpu.memory_space<hbm>>
      %dma_wait3A_131 = tpu.memref_slice %arg2[%add3A_129] : memref<819200xi32, #tpu.memory_space<hbm>> -> memref<160xi32, #tpu.memory_space<hbm>>
      tpu.wait_dma2 semaphore(%arg10 : memref<!tpu.dma_semaphore, #tpu.memory_space<semaphore_mem>>) src(%dma_wait3A_131 : memref<160xi32, #tpu.memory_space<hbm>>) dst(%arg5 : memref<160xi32, #tpu.memory_space<vmem>>)
      %dma_start3A_132 = arith.constant 0 : i32
      %dma_start3A_133 = arith.constant 0 : i32
      %dma_start3A_134 = tpu.memref_slice %arg9[%dma_start3A_132, %dma_start3A_133] : memref<11000x128xf32, #tpu.memory_space<vmem_shared>> -> memref<11000x128xf32, #tpu.memory_space<vmem_shared>>
      tpu.enqueue_indirect_dma source(%dma_start3A_134 : memref<11000x128xf32, #tpu.memory_space<vmem_shared>>) target(%arg7 : memref<160x128xf32, #tpu.memory_space<vmem>>) offsets(%arg5 : memref<160xi32, #tpu.memory_space<vmem>>) semaphore(%arg12 : memref<!tpu.dma_semaphore, #tpu.memory_space<semaphore_mem>>)
      %sub3A_135 = arith.constant 1 : i32
      %sub3A_136 = arith.subi %mul3A_118, %sub3A_135 : i32
      %dma_wait3A_137 = arith.constant 0 : i32
      %dma_wait3A_138 = arith.constant 0 : i32
      %dma_wait3A_139 = tpu.memref_slice %arg9[%dma_wait3A_137, %dma_wait3A_138] : memref<11000x128xf32, #tpu.memory_space<vmem_shared>> -> memref<11000x128xf32, #tpu.memory_space<vmem_shared>>
      tpu.wait_indirect_dma semaphore(%arg13 : memref<!tpu.dma_semaphore, #tpu.memory_space<semaphore_mem>>) src(%dma_wait3A_139 : memref<11000x128xf32, #tpu.memory_space<vmem_shared>>) dst(%arg8 : memref<160x128xf32, #tpu.memory_space<vmem>>)
      %add3A_140 = arith.constant 1 : i32
      %add3A_141 = arith.addi %mul3A_118, %add3A_140 : i32
      %mul3A_142 = arith.constant 160 : i32
      %mul3A_143 = arith.muli %add3A_141, %mul3A_142 : i32
      %add3A_144 = arith.addi %mul3A_2, %mul3A_143 : i32
      %dma_start3A_145 = tpu.memref_slice %arg2[%add3A_144] : memref<819200xi32, #tpu.memory_space<hbm>> -> memref<160xi32, #tpu.memory_space<hbm>>
      %dma_start3A_146 = tpu.memref_slice %arg2[%add3A_144] : memref<819200xi32, #tpu.memory_space<hbm>> -> memref<160xi32, #tpu.memory_space<hbm>>
      tpu.enqueue_dma source(%dma_start3A_146 : memref<160xi32, #tpu.memory_space<hbm>>) target(%arg6 : memref<160xi32, #tpu.memory_space<vmem>>) target_semaphore(%arg11 : memref<!tpu.dma_semaphore, #tpu.memory_space<semaphore_mem>>)
      %sub3A_147 = arith.constant 1 : i32
      %sub3A_148 = arith.subi %mul3A_118, %sub3A_147 : i32
      %mul3A_149 = arith.constant 160 : i32
      %mul3A_150 = arith.muli %sub3A_148, %mul3A_149 : i32
      %add3A_151 = arith.addi %mul3A_2, %mul3A_150 : i32
      %dma_start3A_152 = arith.constant 0 : i32
      %dma_start3A_153 = tpu.memref_slice %arg4[%add3A_151, %dma_start3A_152] : memref<819200x128xf32, #tpu.memory_space<hbm>> -> memref<160x128xf32, #tpu.memory_space<hbm>>
      %dma_start3A_154 = arith.constant 0 : i32
      %dma_start3A_155 = tpu.memref_slice %arg4[%add3A_151, %dma_start3A_154] : memref<819200x128xf32, #tpu.memory_space<hbm>> -> memref<160x128xf32, #tpu.memory_space<hbm>>
      tpu.enqueue_dma source(%arg8 : memref<160x128xf32, #tpu.memory_space<vmem>>) target(%dma_start3A_155 : memref<160x128xf32, #tpu.memory_space<hbm>>) target_semaphore(%arg15 : memref<!tpu.dma_semaphore, #tpu.memory_space<semaphore_mem>>)
      %sub3A_156 = arith.constant 1 : i32
      %sub3A_157 = arith.subi %mul3A_118, %sub3A_156 : i32
      %mul3A_158 = arith.constant 160 : i32
      %mul3A_159 = arith.muli %sub3A_157, %mul3A_158 : i32
      %add3A_160 = arith.addi %mul3A_2, %mul3A_159 : i32
      %dma_wait3A_161 = arith.constant 0 : i32
      %dma_wait3A_162 = tpu.memref_slice %arg4[%add3A_160, %dma_wait3A_161] : memref<819200x128xf32, #tpu.memory_space<hbm>> -> memref<160x128xf32, #tpu.memory_space<hbm>>
      %dma_wait3A_163 = arith.constant 0 : i32
      %dma_wait3A_164 = tpu.memref_slice %arg4[%add3A_160, %dma_wait3A_163] : memref<819200x128xf32, #tpu.memory_space<hbm>> -> memref<160x128xf32, #tpu.memory_space<hbm>>
      tpu.wait_dma2 semaphore(%arg15 : memref<!tpu.dma_semaphore, #tpu.memory_space<semaphore_mem>>) src(%arg8 : memref<160x128xf32, #tpu.memory_space<vmem>>) dst(%dma_wait3A_164 : memref<160x128xf32, #tpu.memory_space<hbm>>)
      %add3A_165 = arith.constant 1 : i32
      %add3A_166 = arith.addi %mul3A_118, %add3A_165 : i32
      %mul3A_167 = arith.constant 160 : i32
      %mul3A_168 = arith.muli %add3A_166, %mul3A_167 : i32
      %add3A_169 = arith.addi %mul3A_2, %mul3A_168 : i32
      %dma_wait3A_170 = tpu.memref_slice %arg2[%add3A_169] : memref<819200xi32, #tpu.memory_space<hbm>> -> memref<160xi32, #tpu.memory_space<hbm>>
      %dma_wait3A_171 = tpu.memref_slice %arg2[%add3A_169] : memref<819200xi32, #tpu.memory_space<hbm>> -> memref<160xi32, #tpu.memory_space<hbm>>
      tpu.wait_dma2 semaphore(%arg11 : memref<!tpu.dma_semaphore, #tpu.memory_space<semaphore_mem>>) src(%dma_wait3A_171 : memref<160xi32, #tpu.memory_space<hbm>>) dst(%arg6 : memref<160xi32, #tpu.memory_space<vmem>>)
      %add3A_172 = arith.constant 1 : i32
      %add3A_173 = arith.addi %mul3A_118, %add3A_172 : i32
      %dma_start3A_174 = arith.constant 0 : i32
      %dma_start3A_175 = arith.constant 0 : i32
      %dma_start3A_176 = tpu.memref_slice %arg9[%dma_start3A_174, %dma_start3A_175] : memref<11000x128xf32, #tpu.memory_space<vmem_shared>> -> memref<11000x128xf32, #tpu.memory_space<vmem_shared>>
      tpu.enqueue_indirect_dma source(%dma_start3A_176 : memref<11000x128xf32, #tpu.memory_space<vmem_shared>>) target(%arg8 : memref<160x128xf32, #tpu.memory_space<vmem>>) offsets(%arg6 : memref<160xi32, #tpu.memory_space<vmem>>) semaphore(%arg13 : memref<!tpu.dma_semaphore, #tpu.memory_space<semaphore_mem>>)
      %dma_wait3A_177 = arith.constant 0 : i32
      %dma_wait3A_178 = arith.constant 0 : i32
      %dma_wait3A_179 = tpu.memref_slice %arg9[%dma_wait3A_177, %dma_wait3A_178] : memref<11000x128xf32, #tpu.memory_space<vmem_shared>> -> memref<11000x128xf32, #tpu.memory_space<vmem_shared>>
      tpu.wait_indirect_dma semaphore(%arg12 : memref<!tpu.dma_semaphore, #tpu.memory_space<semaphore_mem>>) src(%dma_wait3A_179 : memref<11000x128xf32, #tpu.memory_space<vmem_shared>>) dst(%arg7 : memref<160x128xf32, #tpu.memory_space<vmem>>)
      %add3A_180 = arith.constant 2 : i32
      %add3A_181 = arith.addi %mul3A_118, %add3A_180 : i32
      %mul3A_182 = arith.constant 160 : i32
      %mul3A_183 = arith.muli %add3A_181, %mul3A_182 : i32
      %add3A_184 = arith.addi %mul3A_2, %mul3A_183 : i32
      %dma_start3A_185 = tpu.memref_slice %arg2[%add3A_184] : memref<819200xi32, #tpu.memory_space<hbm>> -> memref<160xi32, #tpu.memory_space<hbm>>
      %dma_start3A_186 = tpu.memref_slice %arg2[%add3A_184] : memref<819200xi32, #tpu.memory_space<hbm>> -> memref<160xi32, #tpu.memory_space<hbm>>
      tpu.enqueue_dma source(%dma_start3A_186 : memref<160xi32, #tpu.memory_space<hbm>>) target(%arg5 : memref<160xi32, #tpu.memory_space<vmem>>) target_semaphore(%arg10 : memref<!tpu.dma_semaphore, #tpu.memory_space<semaphore_mem>>)
      %mul3A_187 = arith.constant 160 : i32
      %mul3A_188 = arith.muli %mul3A_118, %mul3A_187 : i32
      %add3A_189 = arith.addi %mul3A_2, %mul3A_188 : i32
      %dma_start3A_190 = arith.constant 0 : i32
      %dma_start3A_191 = tpu.memref_slice %arg4[%add3A_189, %dma_start3A_190] : memref<819200x128xf32, #tpu.memory_space<hbm>> -> memref<160x128xf32, #tpu.memory_space<hbm>>
      %dma_start3A_192 = arith.constant 0 : i32
      %dma_start3A_193 = tpu.memref_slice %arg4[%add3A_189, %dma_start3A_192] : memref<819200x128xf32, #tpu.memory_space<hbm>> -> memref<160x128xf32, #tpu.memory_space<hbm>>
      tpu.enqueue_dma source(%arg7 : memref<160x128xf32, #tpu.memory_space<vmem>>) target(%dma_start3A_193 : memref<160x128xf32, #tpu.memory_space<hbm>>) target_semaphore(%arg14 : memref<!tpu.dma_semaphore, #tpu.memory_space<semaphore_mem>>)
    }
    %scan3A_46 = arith.constant 78 : i32
    %add3A_47 = arith.constant 24960 : i32
    %add3A_48 = arith.addi %mul3A_2, %add3A_47 : i32
    %dma_wait3A_49 = arith.constant 0 : i32
    %dma_wait3A_50 = tpu.memref_slice %arg4[%add3A_48, %dma_wait3A_49] : memref<819200x128xf32, #tpu.memory_space<hbm>> -> memref<160x128xf32, #tpu.memory_space<hbm>>
    %dma_wait3A_51 = arith.constant 0 : i32
    %dma_wait3A_52 = tpu.memref_slice %arg4[%add3A_48, %dma_wait3A_51] : memref<819200x128xf32, #tpu.memory_space<hbm>> -> memref<160x128xf32, #tpu.memory_space<hbm>>
    tpu.wait_dma2 semaphore(%arg14 : memref<!tpu.dma_semaphore, #tpu.memory_space<semaphore_mem>>) src(%arg7 : memref<160x128xf32, #tpu.memory_space<vmem>>) dst(%dma_wait3A_52 : memref<160x128xf32, #tpu.memory_space<hbm>>)
    %add3A_53 = arith.constant 25280 : i32
    %add3A_54 = arith.addi %mul3A_2, %add3A_53 : i32
    %dma_wait3A_55 = tpu.memref_slice %arg2[%add3A_54] : memref<819200xi32, #tpu.memory_space<hbm>> -> memref<160xi32, #tpu.memory_space<hbm>>
    %dma_wait3A_56 = tpu.memref_slice %arg2[%add3A_54] : memref<819200xi32, #tpu.memory_space<hbm>> -> memref<160xi32, #tpu.memory_space<hbm>>
    tpu.wait_dma2 semaphore(%arg10 : memref<!tpu.dma_semaphore, #tpu.memory_space<semaphore_mem>>) src(%dma_wait3A_56 : memref<160xi32, #tpu.memory_space<hbm>>) dst(%arg5 : memref<160xi32, #tpu.memory_space<vmem>>)
    %dma_start3A_57 = arith.constant 0 : i32
    %dma_start3A_58 = arith.constant 0 : i32
    %dma_start3A_59 = tpu.memref_slice %arg9[%dma_start3A_57, %dma_start3A_58] : memref<11000x128xf32, #tpu.memory_space<vmem_shared>> -> memref<11000x128xf32, #tpu.memory_space<vmem_shared>>
    tpu.enqueue_indirect_dma source(%dma_start3A_59 : memref<11000x128xf32, #tpu.memory_space<vmem_shared>>) target(%arg7 : memref<160x128xf32, #tpu.memory_space<vmem>>) offsets(%arg5 : memref<160xi32, #tpu.memory_space<vmem>>) semaphore(%arg12 : memref<!tpu.dma_semaphore, #tpu.memory_space<semaphore_mem>>)
    %dma_wait3A_60 = arith.constant 0 : i32
    %dma_wait3A_61 = arith.constant 0 : i32
    %dma_wait3A_62 = tpu.memref_slice %arg9[%dma_wait3A_60, %dma_wait3A_61] : memref<11000x128xf32, #tpu.memory_space<vmem_shared>> -> memref<11000x128xf32, #tpu.memory_space<vmem_shared>>
    tpu.wait_indirect_dma semaphore(%arg13 : memref<!tpu.dma_semaphore, #tpu.memory_space<semaphore_mem>>) src(%dma_wait3A_62 : memref<11000x128xf32, #tpu.memory_space<vmem_shared>>) dst(%arg8 : memref<160x128xf32, #tpu.memory_space<vmem>>)
    %add3A_63 = arith.constant 25440 : i32
    %add3A_64 = arith.addi %mul3A_2, %add3A_63 : i32
    %dma_start3A_65 = tpu.memref_slice %arg2[%add3A_64] : memref<819200xi32, #tpu.memory_space<hbm>> -> memref<160xi32, #tpu.memory_space<hbm>>
    %dma_start3A_66 = tpu.memref_slice %arg2[%add3A_64] : memref<819200xi32, #tpu.memory_space<hbm>> -> memref<160xi32, #tpu.memory_space<hbm>>
    tpu.enqueue_dma source(%dma_start3A_66 : memref<160xi32, #tpu.memory_space<hbm>>) target(%arg6 : memref<160xi32, #tpu.memory_space<vmem>>) target_semaphore(%arg11 : memref<!tpu.dma_semaphore, #tpu.memory_space<semaphore_mem>>)
    %add3A_67 = arith.constant 25120 : i32
    %add3A_68 = arith.addi %mul3A_2, %add3A_67 : i32
    %dma_start3A_69 = arith.constant 0 : i32
    %dma_start3A_70 = tpu.memref_slice %arg4[%add3A_68, %dma_start3A_69] : memref<819200x128xf32, #tpu.memory_space<hbm>> -> memref<160x128xf32, #tpu.memory_space<hbm>>
    %dma_start3A_71 = arith.constant 0 : i32
    %dma_start3A_72 = tpu.memref_slice %arg4[%add3A_68, %dma_start3A_71] : memref<819200x128xf32, #tpu.memory_space<hbm>> -> memref<160x128xf32, #tpu.memory_space<hbm>>
    tpu.enqueue_dma source(%arg8 : memref<160x128xf32, #tpu.memory_space<vmem>>) target(%dma_start3A_72 : memref<160x128xf32, #tpu.memory_space<hbm>>) target_semaphore(%arg15 : memref<!tpu.dma_semaphore, #tpu.memory_space<semaphore_mem>>)
    %add3A_73 = arith.constant 25120 : i32
    %add3A_74 = arith.addi %mul3A_2, %add3A_73 : i32
    %dma_wait3A_75 = arith.constant 0 : i32
    %dma_wait3A_76 = tpu.memref_slice %arg4[%add3A_74, %dma_wait3A_75] : memref<819200x128xf32, #tpu.memory_space<hbm>> -> memref<160x128xf32, #tpu.memory_space<hbm>>
    %dma_wait3A_77 = arith.constant 0 : i32
    %dma_wait3A_78 = tpu.memref_slice %arg4[%add3A_74, %dma_wait3A_77] : memref<819200x128xf32, #tpu.memory_space<hbm>> -> memref<160x128xf32, #tpu.memory_space<hbm>>
    tpu.wait_dma2 semaphore(%arg15 : memref<!tpu.dma_semaphore, #tpu.memory_space<semaphore_mem>>) src(%arg8 : memref<160x128xf32, #tpu.memory_space<vmem>>) dst(%dma_wait3A_78 : memref<160x128xf32, #tpu.memory_space<hbm>>)
    %add3A_79 = arith.constant 25440 : i32
    %add3A_80 = arith.addi %mul3A_2, %add3A_79 : i32
    %dma_wait3A_81 = tpu.memref_slice %arg2[%add3A_80] : memref<819200xi32, #tpu.memory_space<hbm>> -> memref<160xi32, #tpu.memory_space<hbm>>
    %dma_wait3A_82 = tpu.memref_slice %arg2[%add3A_80] : memref<819200xi32, #tpu.memory_space<hbm>> -> memref<160xi32, #tpu.memory_space<hbm>>
    tpu.wait_dma2 semaphore(%arg11 : memref<!tpu.dma_semaphore, #tpu.memory_space<semaphore_mem>>) src(%dma_wait3A_82 : memref<160xi32, #tpu.memory_space<hbm>>) dst(%arg6 : memref<160xi32, #tpu.memory_space<vmem>>)
    %dma_start3A_83 = arith.constant 0 : i32
    %dma_start3A_84 = arith.constant 0 : i32
    %dma_start3A_85 = tpu.memref_slice %arg9[%dma_start3A_83, %dma_start3A_84] : memref<11000x128xf32, #tpu.memory_space<vmem_shared>> -> memref<11000x128xf32, #tpu.memory_space<vmem_shared>>
    tpu.enqueue_indirect_dma source(%dma_start3A_85 : memref<11000x128xf32, #tpu.memory_space<vmem_shared>>) target(%arg8 : memref<160x128xf32, #tpu.memory_space<vmem>>) offsets(%arg6 : memref<160xi32, #tpu.memory_space<vmem>>) semaphore(%arg13 : memref<!tpu.dma_semaphore, #tpu.memory_space<semaphore_mem>>)
    %dma_wait3A_86 = arith.constant 0 : i32
    %dma_wait3A_87 = arith.constant 0 : i32
    %dma_wait3A_88 = tpu.memref_slice %arg9[%dma_wait3A_86, %dma_wait3A_87] : memref<11000x128xf32, #tpu.memory_space<vmem_shared>> -> memref<11000x128xf32, #tpu.memory_space<vmem_shared>>
    tpu.wait_indirect_dma semaphore(%arg12 : memref<!tpu.dma_semaphore, #tpu.memory_space<semaphore_mem>>) src(%dma_wait3A_88 : memref<11000x128xf32, #tpu.memory_space<vmem_shared>>) dst(%arg7 : memref<160x128xf32, #tpu.memory_space<vmem>>)
    %add3A_89 = arith.constant 25280 : i32
    %add3A_90 = arith.addi %mul3A_2, %add3A_89 : i32
    %dma_start3A_91 = arith.constant 0 : i32
    %dma_start3A_92 = tpu.memref_slice %arg4[%add3A_90, %dma_start3A_91] : memref<819200x128xf32, #tpu.memory_space<hbm>> -> memref<160x128xf32, #tpu.memory_space<hbm>>
    %dma_start3A_93 = arith.constant 0 : i32
    %dma_start3A_94 = tpu.memref_slice %arg4[%add3A_90, %dma_start3A_93] : memref<819200x128xf32, #tpu.memory_space<hbm>> -> memref<160x128xf32, #tpu.memory_space<hbm>>
    tpu.enqueue_dma source(%arg7 : memref<160x128xf32, #tpu.memory_space<vmem>>) target(%dma_start3A_94 : memref<160x128xf32, #tpu.memory_space<hbm>>) target_semaphore(%arg14 : memref<!tpu.dma_semaphore, #tpu.memory_space<semaphore_mem>>)
    %dma_wait3A_95 = arith.constant 0 : i32
    %dma_wait3A_96 = arith.constant 0 : i32
    %dma_wait3A_97 = tpu.memref_slice %arg9[%dma_wait3A_95, %dma_wait3A_96] : memref<11000x128xf32, #tpu.memory_space<vmem_shared>> -> memref<11000x128xf32, #tpu.memory_space<vmem_shared>>
    tpu.wait_indirect_dma semaphore(%arg13 : memref<!tpu.dma_semaphore, #tpu.memory_space<semaphore_mem>>) src(%dma_wait3A_97 : memref<11000x128xf32, #tpu.memory_space<vmem_shared>>) dst(%arg8 : memref<160x128xf32, #tpu.memory_space<vmem>>)
    %add3A_98 = arith.constant 25440 : i32
    %add3A_99 = arith.addi %mul3A_2, %add3A_98 : i32
    %dma_start3A_100 = arith.constant 0 : i32
    %dma_start3A_101 = tpu.memref_slice %arg4[%add3A_99, %dma_start3A_100] : memref<819200x128xf32, #tpu.memory_space<hbm>> -> memref<160x128xf32, #tpu.memory_space<hbm>>
    %dma_start3A_102 = arith.constant 0 : i32
    %dma_start3A_103 = tpu.memref_slice %arg4[%add3A_99, %dma_start3A_102] : memref<819200x128xf32, #tpu.memory_space<hbm>> -> memref<160x128xf32, #tpu.memory_space<hbm>>
    tpu.enqueue_dma source(%arg8 : memref<160x128xf32, #tpu.memory_space<vmem>>) target(%dma_start3A_103 : memref<160x128xf32, #tpu.memory_space<hbm>>) target_semaphore(%arg15 : memref<!tpu.dma_semaphore, #tpu.memory_space<semaphore_mem>>)
    %add3A_104 = arith.constant 25280 : i32
    %add3A_105 = arith.addi %mul3A_2, %add3A_104 : i32
    %dma_wait3A_106 = arith.constant 0 : i32
    %dma_wait3A_107 = tpu.memref_slice %arg4[%add3A_105, %dma_wait3A_106] : memref<819200x128xf32, #tpu.memory_space<hbm>> -> memref<160x128xf32, #tpu.memory_space<hbm>>
    %dma_wait3A_108 = arith.constant 0 : i32
    %dma_wait3A_109 = tpu.memref_slice %arg4[%add3A_105, %dma_wait3A_108] : memref<819200x128xf32, #tpu.memory_space<hbm>> -> memref<160x128xf32, #tpu.memory_space<hbm>>
    tpu.wait_dma2 semaphore(%arg14 : memref<!tpu.dma_semaphore, #tpu.memory_space<semaphore_mem>>) src(%arg7 : memref<160x128xf32, #tpu.memory_space<vmem>>) dst(%dma_wait3A_109 : memref<160x128xf32, #tpu.memory_space<hbm>>)
    %add3A_110 = arith.constant 25440 : i32
    %add3A_111 = arith.addi %mul3A_2, %add3A_110 : i32
    %dma_wait3A_112 = arith.constant 0 : i32
    %dma_wait3A_113 = tpu.memref_slice %arg4[%add3A_111, %dma_wait3A_112] : memref<819200x128xf32, #tpu.memory_space<hbm>> -> memref<160x128xf32, #tpu.memory_space<hbm>>
    %dma_wait3A_114 = arith.constant 0 : i32
    %dma_wait3A_115 = tpu.memref_slice %arg4[%add3A_111, %dma_wait3A_114] : memref<819200x128xf32, #tpu.memory_space<hbm>> -> memref<160x128xf32, #tpu.memory_space<hbm>>
    tpu.wait_dma2 semaphore(%arg15 : memref<!tpu.dma_semaphore, #tpu.memory_space<semaphore_mem>>) src(%arg8 : memref<160x128xf32, #tpu.memory_space<vmem>>) dst(%dma_wait3A_115 : memref<160x128xf32, #tpu.memory_space<hbm>>)
    return
  }
}

module attributes {stable_mosaic.version = 14 : i64} {
  func.func @_proj_body(%arg0: memref<11000x100xf32, #tpu.memory_space<vmem>>, %arg1: memref<100x128xf32, #tpu.memory_space<vmem>>, %arg2: memref<1x128xf32, #tpu.memory_space<vmem>>, %arg3: memref<11000x128xf32, #tpu.memory_space<vmem>>) attributes {dimension_semantics = [], scalar_prefetch = 0 : i64, scratch_operands = 0 : i64, tpu.core_type = #tpu.core_type<tc>} {
    %get3A = arith.constant 0 : index
    %get3A_0 = arith.constant 0 : index
    %get3A_1 = vector.load %arg0[%get3A, %get3A_0] : memref<11000x100xf32, #tpu.memory_space<vmem>>, vector<11000x100xf32>
    %get3A_2 = arith.constant 0 : index
    %get3A_3 = arith.constant 0 : index
    %get3A_4 = vector.load %arg1[%get3A_2, %get3A_3] : memref<100x128xf32, #tpu.memory_space<vmem>>, vector<100x128xf32>
    %dot_general3A = arith.constant dense<0.000000e+00> : vector<11000x128xf32>
    %dot_general3A_5 = tpu.matmul %get3A_1, %get3A_4, %dot_general3A {dimension_numbers = #tpu.dot_dimension_numbers<[1], [0], [0], [1], [0, 0, 1, 1], [], []>, transpose_lhs_hint = false} : vector<11000x100xf32>, vector<100x128xf32>, vector<11000x128xf32> -> vector<11000x128xf32>
    %get3A_6 = arith.constant 0 : index
    %get3A_7 = arith.constant 0 : index
    %get3A_8 = vector.load %arg2[%get3A_6, %get3A_7] : memref<1x128xf32, #tpu.memory_space<vmem>>, vector<1x128xf32>
    %add3A = vector.broadcast %get3A_8 : vector<1x128xf32> to vector<11000x128xf32>
    %add3A_9 = arith.addf %dot_general3A_5, %add3A : vector<11000x128xf32>
    %swap3A = arith.constant 0 : index
    %swap3A_10 = arith.constant 0 : index
    %swap3A_11 = vector.load %arg3[%swap3A, %swap3A_10] : memref<11000x128xf32, #tpu.memory_space<vmem>>, vector<11000x128xf32>
    tpu.vector_store %arg3[%swap3A, %swap3A_10], %add3A_9 {strides = array<i32>} : memref<11000x128xf32, #tpu.memory_space<vmem>>, vector<11000x128xf32>,
    return
  }
}

</mosaic_0001>

<sc_bundles>
// kernel: kernel.4.cloned.1.call-start
scs
__scs_entry_jumppad:
0x0: {  	(pc) =	sbr.rel $0x88, $3  }
0x1: {  	(tag) =	ssettag $0x0;
	lr =	simm.s32 $0x1  }
0x2: {  	[smem:$0x3F9D] =	sst lr;
	_ =	strace $0xD0000000  }
0x3: {  	_ = 	snop  }
0x4: {  	_ = 	snop  }
0x5: {  	_ = 	snop  }
0x6: {  	_ = 	snop  }
0x7: {  	_ = 	snop  }
__scs_overlays_trampoline_lowered:
0x8: {  	[smem:$0x3FAC] =	sst s0  }
0x9: {  	[smem:$0x3FAD] =	sst s1  }
0xa: {  	[smem:$0x3FAE] =	sst s2  }
0xb: {  	[smem:$0x3FAF] =	sst s3  }
0xc: {  	[smem:$0x3FB0] =	sst s4  }
0xd: {  	[smem:$0x3FB1] =	sst s5  }
0xe: {  	[smem:$0x3FB2] =	sst s6  }
0xf: {  	[smem:$0x3FB3] =	sst s7  }
0x10: {  	[smem:$0x3FB4] =	sst s8  }
0x11: {  	[smem:$0x3FB5] =	sst s9;
	s0 =	simm.s32 @!p0 $0x0  }
0x12: {  	s1 =	sld [smem:$0x3F9B];
	s0 =	simm.s32 @p0 $0x1  }
0x13: {  	[smem:$0x3FB6] =	sst s0;
	s0 =	simm.s32 @!p1 $0x0  }
0x14: {  	s2 =	sld [smem:$0x3F9A];
	s0 =	simm.s32 @p1 $0x1  }
0x15: {  	[smem:$0x3FB7] =	sst s0;
	s0 =	simm.s32 @!p2 $0x0  }
0x16: {  	s3 =	sld [smem:$0x3FDB];
	s0 =	simm.s32 @p2 $0x1  }
0x17: {  	s4 =	simm.s32 $0x1BF5;
	[smem:$0x3FB9] =	sst s0  }
0x18: {  	s0 =	sld [smem:$0x3F9C];
	_ =	swait.ge [sflag:s4], $0x0  }
0x19: {  	s7 =	sld [smem:$0x3F9D]  }
0x1a: {  	s8 =	sadd.s32 $0xFFFFE003, lr  }
0x1b: {  	s9 =	sadd.s32 $0xFFFFFEF7, lr;
	s5 =	simm.s32 $0xFFFFFFFF;
	p2 =	slt.u32 s8, $0xFFFFF086  }
0x1c: {  	p1 =	slt.u32 s9, $0xF7A;
	s5 =	simm.s32 @!p2 $0x0  }
0x1d: {  	s5 =	simm.s32 @p1 $0x1;
	p0 =	seq.s32 s7, s2  }
0x1e: {  	s7 =	smul.u32 @!p0 $0xF7A, s2;
	p2 =	seq.s32 @!p0 s5, $0x0  }
0x1f: {  	s9 =	smul.u32 $0xF7A, s1;
	s8 =	simm.s32 @!p0 $0x1BF5;
	p2 =	por !p2, p0  }
0x20: {  	[sflag:s8] =	ssyncset.s32 @!p0 $0xFFFFF086;
	s6 =	sadd.s32 @!p0 s3, s7;
	s7 =	simm.s32 @!p0 $0x108  }
0x21: {  	s3 =	sadd.s32 s3, s9;
	s6 =	sadd.s32 @!p0 $0x88, s6;
	s7 =	simm.s32 @p2 $0x1082  }
0x22: {  	[simem:s7], [sflag:s8] =	dma.local @!p0 [hbm:s6], $0xF7A  }
0x23: {  	s9 =	sor.u32 $0xD0000000, s2;
	s6 =	simm.s32 $0x108;
	_ =	swait.ge @!p0 [sflag:s8], $0x0  }
0x24: {  	s3 =	sadd.s32 $0x88, s3;
	s6 =	simm.s32 @!p1 $0x1082;
	[sflag:s4] =	ssyncset.s32 $0xFFFFF086  }
0x25: {  	[simem:s6], [sflag:s4] =	dma.local [hbm:s3], $0xF7A  }
0x26: {  	[smem:$0x3F9D] =	sst s1;
	(tag) =	ssettag s2;
	_ =	strace s9  }
0x27: {  	s1 =	sld [smem:$0x3FAD]  }
0x28: {  	s2 =	sld [smem:$0x3FAE]  }
0x29: {  	s4 =	sld [smem:$0x3FB0]  }
0x2a: {  	p0 =	seq.s32 s5, $0x0;
	s5 =	sld [smem:$0x3FB1]  }
0x2b: {  	s6 =	sld [smem:$0x3FB2]  }
0x2c: {  	s7 =	sld [smem:$0x3FB3]  }
0x2d: {  	s3 =	simm.s32 $0x108;
	s8 =	sld [smem:$0x3FB4]  }
0x2e: {  	s3 =	simm.s32 @!p0 $0x1082;
	s9 =	sld [smem:$0x3FB5]  }
0x2f: {  	lr =	sadd.s32 s0, s3;
	s0 =	sld [smem:$0x3FAC]  }
0x30: {  	s3 =	sld [smem:$0x3FAF]  }
0x31: {  	[smem:$0x3FB8] =	sst s10  }
0x32: {  	s10 =	sld [smem:$0x3FB6];
	_ =	sdelay $0x3  }
0x33: {  	p0 =	seq.s32 s10, $0x1;
	s10 =	sld [smem:$0x3FB8];
	_ =	sdelay $0x3  }
0x34: {  	[smem:$0x3FB8] =	sst s10  }
0x35: {  	s10 =	sld [smem:$0x3FB7];
	_ =	sdelay $0x3  }
0x36: {  	p1 =	seq.s32 s10, $0x1;
	s10 =	sld [smem:$0x3FB8];
	_ =	sdelay $0x3  }
0x37: {  	[smem:$0x3FB8] =	sst s10  }
0x38: {  	s10 =	sld [smem:$0x3FB9]  }
0x39: {  	_ = 	snop;
	(pc) =	sbr.ind lr, $3  }
0x3a: {  	_ = 	snop  }
0x3b: {  	_ = 	snop  }
0x3c: {  	p2 =	seq.s32 s10, $0x1;
	s10 =	sld [smem:$0x3FB8]  }
0x3d: {  	_ =	shalt  }
0x3e: {  	_ =	shalt  }
0x3f: {  	_ =	shalt  }
0x40: {  	_ =	shalt  }
0x41: {  	_ =	shalt  }
0x42: {  	_ =	shalt  }
0x43: {  	_ =	shalt  }
0x44: {  	_ =	shalt  }
0x45: {  	_ =	shalt  }
0x46: {  	_ =	shalt  }
0x47: {  	_ =	shalt  }
0x48: {  	_ =	shalt  }
0x49: {  	_ =	shalt  }
0x4a: {  	_ =	shalt  }
0x4b: {  	_ =	shalt  }
0x4c: {  	_ =	shalt  }
0x4d: {  	_ =	shalt  }
0x4e: {  	_ =	shalt  }
0x4f: {  	_ =	shalt  }
0x50: {  	_ =	shalt  }
0x51: {  	_ =	shalt  }
0x52: {  	_ =	shalt  }
0x53: {  	_ =	shalt  }
0x54: {  	_ =	shalt  }
0x55: {  	_ =	shalt  }
0x56: {  	_ =	shalt  }
0x57: {  	_ =	shalt  }
0x58: {  	_ =	shalt  }
0x59: {  	_ =	shalt  }
0x5a: {  	_ =	shalt  }
0x5b: {  	_ =	shalt  }
0x5c: {  	_ =	shalt  }
0x5d: {  	_ =	shalt  }
0x5e: {  	_ =	shalt  }
0x5f: {  	_ =	shalt  }
0x60: {  	_ =	shalt  }
0x61: {  	_ =	shalt  }
0x62: {  	_ =	shalt  }
0x63: {  	_ =	shalt  }
0x64: {  	_ =	shalt  }
0x65: {  	_ =	shalt  }
0x66: {  	_ =	shalt  }
0x67: {  	_ =	shalt  }
0x68: {  	_ =	shalt  }
0x69: {  	_ =	shalt  }
0x6a: {  	_ =	shalt  }
0x6b: {  	_ =	shalt  }
0x6c: {  	_ =	shalt  }
0x6d: {  	_ =	shalt  }
0x6e: {  	_ =	shalt  }
0x6f: {  	_ =	shalt  }
0x70: {  	_ =	shalt  }
0x71: {  	_ =	shalt  }
0x72: {  	_ =	shalt  }
0x73: {  	_ =	shalt  }
0x74: {  	_ =	shalt  }
0x75: {  	_ =	shalt  }
0x76: {  	_ =	shalt  }
0x77: {  	_ =	shalt  }
0x78: {  	_ =	shalt  }
0x79: {  	_ =	shalt  }
0x7a: {  	_ =	shalt  }
0x7b: {  	_ =	shalt  }
0x7c: {  	_ =	shalt  }
0x7d: {  	_ =	shalt  }
0x7e: {  	_ =	shalt  }
0x7f: {  	_ =	shalt  }
0x80: {  	_ =	shalt  }
0x81: {  	_ =	shalt  }
0x82: {  	_ =	shalt  }
0x83: {  	_ =	shalt  }
0x84: {  	_ =	shalt  }
0x85: {  	_ =	shalt  }
0x86: {  	_ =	shalt  }
0x87: {  	_ =	shalt  }
.Lfunc_end0:
.L_simem_size_0:
called_computation_lowered:
.L_overlay_start_0:
0x88: {  	s2 =	sld [smem:$0x3FD9]  }
0x89: {  	s3 =	sld [smem:$0x3FFE];
	_ =	sdelay $0x1  }
0x8a: {  	s1 =	srdreg.scid  }
0x8b: {  	s0 =	sand.u32 $0x1, s1  }
0x8c: {  	s17 =	sshll.u32 s0, $0xA;
	s2 =	sadd.s32 s3, s2  }
0x8d: {  	s2 =	sadd.s32 s2, s17  }
0x8e: {  	[smem:$0x3FC4] =	sst s2  }
0x8f: {  	_ = 	snop  }
0x90: {  	s2 =	sld [smem:$0x3FD0];
	(tm) =	ssettm $0x1  }
0x91: {  	s18 =	sld [smem:$0x3FFB];
	_ =	sdelay $0x3  }
0x92: {  	_ =	strace s18  }
0x93: {  	s3 =	sld [smem:$0x3FFC];
	_ =	sdelay $0x3  }
0x94: {  	_ =	strace s3  }
0x95: {  	s3 =	sld [smem:$0x3FFD];
	_ =	sdelay $0x3  }
0x96: {  	_ =	strace s3  }
0x97: {  	_ =	strace $0x8FFFFFFF  }
0x98: {  	s19 =	sld [smem:$0x3FDB];
	_ =	sdelay $0x1  }
0x99: {  	s4 =	simm.s32 $_scs_section_size  }
0x9a: {  	s5 =	simm.s32 $_size__tile_overlayer_lowered;
	s6 =	simm.s32 $_tile_overlayer_lowered  }
0x9b: {  	s22 =	simm.s32 $0x1BFF;
	s21 =	sshll.u32 s6, $0x1;
	s3 =	sadd.s32 s4, s19  }
0x9c: {  	s7 =	simm.s32 $0x0;
	s20 =	sshll.u32 s5, $0x1;
	s5 =	sadd.s32 s21, s3  }
0x9d: {  	[timem:s7], [sflag:s22] =	dma.local [hbm:s5], s20  }
0x9e: {  	_ =	swait.ge [sflag:s22], s20  }
0x9f: {  	s4 =	ssub.s32 $0x0, s20;
	[sflag:s22] =	ssyncset.done $0x0  }
0xa0: {  	[sflag:s22] =	ssyncadd.s32 s4;
	_ =	sdelay $0x1  }
0xa1: {  	s23 =	simm.s32 $0x1B8B  }
0xa2: {  	_ =	swait.ge [sflag:s23], $0x1  }
0xa3: {  	[sflag:s23] =	ssyncset.done $0x0  }
0xa4: {  	s25 =	simm.s32 $0x1B8E;
	s24 =	sld [smem:$0x3FFE];
	[sflag:s23] =	ssyncadd.s32 $0xFFFFFFFF  }
0xa5: {  	s26 =	simm.s32 $execute0_lowered;
	[smem:$0x3FD2] =	sst s25  }
0xa6: {  	s5 =	sshll.u32 s26, $0x1;
	_ =	strace $0x80000046;
	[dreg:$0x1] =	wrdreg $0xFFFFFFFF  }
0xa7: {  	s28 =	simm.s32 $_size_execute0_lowered;
	s3 =	sadd.s32 s3, s5;
	[dreg:$0x0] =	wrdreg $0x0  }
0xa8: {  	s5 =	sshll.u32 s28, $0x1;
	[dreg:$0x2] =	wrdreg s3  }
0xa9: {  	[dreg:$0x3] =	wrdreg s5  }
0xaa: {  	[dreg:$0x4] =	wrdreg $0xC0  }
0xab: {  	_ =	task [dreg:s7], $0x5FFFF  }
0xac: {  	[dreg:$0x1] =	wrdreg $0xFFFFFFFF  }
0xad: {  	[dreg:$0x0] =	wrdreg $0x60  }
0xae: {  	[dreg:$0x2] =	wrdreg s24  }
0xaf: {  	[dreg:$0x3] =	wrdreg s2  }
0xb0: {  	[dreg:$0x4] =	wrdreg $0xA2000  }
0xb1: {  	[dreg:$0x5] =	wrdreg $0x9  }
0xb2: {  	_ =	task.clear_ibuf [dreg:s7], $0x6FFFF;
	_ =	strace $0x90000046  }
0xb3: {  	s29 =	simm.s32 $0x9;
	_ =	strace $0x80000048  }
0xb4: {  	_ =	swait.ge [sflag:s29], $0x1  }
0xb5: {  	[sflag:s29] =	ssyncadd.s32 $0xFFFFFFFF  }
0xb6: {  	_ =	strace $0x90000048  }
0xb7: {  	_ =	sfence  }
0xb8: {  	s30 =	sld [smem:$0x0];
	_ =	sdelay $0x2  }
0xb9: {  	s31 =	sshll.u32 s1, $0xD;
	s1 =	sshrl.u32 s1, $0x2  }
0xba: {  	s3 =	sand.u32 $0x4000, s31;
	s1 =	sadd.s32 s1, s30  }
0xbb: {  	s0 =	sor.u32 s3, s0;
	s1 =	sshll.u32 s1, $0x11  }
0xbc: {  	s0 =	sor.u32 s1, s0  }
0xbd: {  	s0 =	sadd.s32 $0x8F2B, s0  }
0xbe: {  	[sflag:s0] =	ssyncadd.remote.s32 $0x1  }
0xbf: {  	_ =	sfence.sel $0xFFFF  }
0xc0: {  	[dreg:$0x0] =	wrdreg $0xFFFFFFFF;
	(pc) =	sbr.abs _section_cstart, $3  }
0xc1: {  	[dreg:$0x1] =	wrdreg $0xFFFFFFFF  }
0xc2: {  	_ =	task.clear_ibuf [dreg:s7], $0x2FFFF;
	_ =	strace $0x9FFFFFFF  }
0xc3: {  	(tm) =	ssettm $0x7FFFFFFF  }
tec
execute0_lowered:
.L_overlay_start_1:
0x0: {  	(tag) =	ssettag $0x1  }
0x1: {  	s0 =	rddreg [dreg:$0x0]  }
0x2: {  	s1 =	rddreg [dreg:$0x1]  }
0x3: {  	s2 =	rddreg [dreg:$0x2]  }
0x4: {  	s21 =	stileid.u32;
	s4 =	srdreg.scid  }
0x5: {  	s3 =	simm.s32 $0x0;
	s28 =	simm.s32 $0x5;
	s29 =	simm.s32 $0x4  }
0x6: {  	s30 =	simm.s32 $0x6;
	s31 =	simm.s32 $0x0;
	s5 =	sand.u32 $0x1, s4  }
0x7: {  	s25 =	sshll.u32 s21, $0x1;
	[smem:$0x7FF] =	sst s3;
	s26 =	smul.u32 $0x2B00, s21  }
0x8: {  	s17 =	sadd.s32 $0xC00, s0;
	s11 =	smul.u32 $0x56000, s21;
	s19 =	sadd.s32 $0x142800, s2  }
0x9: {  	p0 =	seq.s32 s21, $0xF;
	s7 =	sor.u32 s5, s25;
	_ =	strace $0x80000047  }
0xa: {  	s6 =	ssub.s32 $0x2, s5;
	s19 =	sshrl.u32 @p0 s19, $0x3;
	s10 =	smul.u32 $0x6400, s7  }
0xb: {  	s8 =	sshrl.u32 s6, $0x1;
	s12 =	sadd.s32 s26, s0;
	s15 =	smul.u32 $0x64000, s7  }
0xc: {  	s13 =	sshrl.u32 s11, $0x2;
	s18 =	smul.u32 $0x320000, s7;
	s7 =	sadd.s32 $0x42100, s0  }
0xd: {  	s14 =	ssub.s32 s6, s8;
	s20 =	sadd.s32 s13, s2;
	s16 =	sadd.s32 $0x19C00, s12  }
0xe: {  	s9 =	sshrl.u32 s10, $0x3;
	[dreg:$0x5] =	wrdreg s16;
	s16 =	smul.u32 $0x6400, s5  }
0xf: {  	s22 =	sadd.s32 $0x6360, s10;
	s23 =	sshrl.u32 s18, $0x3;
	s18 =	smul.u32 $0xC8000, s21  }
0x10: {  	s5 =	smul.u32 $0x64000, s5;
	s14 =	smax.u32 s14, $0x1;
	s20 =	sshrl.u32 @!p0 s20, $0x3  }
0x11: {  	s4 =	sadd.s32 s17, s9;
	s24 =	sshrl.u32 s22, $0x3;
	s25 =	sadd.s32 s1, s23  }
0x12: {  	s0 =	sshll.u32 s22, $0x4;
	s22 =	simm.s32 $0xA0;
	s23 =	simm.s32 $0x200  }
0x13: {  	s9 =	sadd.s32 $0x14, s4;
	s8 =	sadd.s32 $0x28, s4;
	s10 =	sadd.s32 s17, s24  }
0x14: {  	s11 =	sadd.s32 $0x62200, s25;
	s12 =	sadd.s32 $0x62C00, s25;
	s13 =	sadd.s32 s1, s0  }
0x15: {  	[dreg:$0x4] =	wrdreg s9;
	s9 =	sadd.s32 s1, s15;
	s15 =	smul.u32 $0xC800, s21  }
0x16: {  	s24 =	simm.s32 $0x2;
	s25 =	simm.s32 $0x5200;
	s1 =	sadd.s32 s18, s1  }
0x17: {  	s18 =	simm.s32 $0x100;
	s21 =	simm.s32 $0x1;
	s26 =	sadd.s32 s16, s15  }
0x18: {  	s1 =	sadd.s32 s5, s1;
	s15 =	sor.u32 $0x280, s26;
	s0 =	sor.u32 $0x1E0, s26  }
0x19: {  	s16 =	sadd.s32 $0xA00, s1;
	s15 =	sshrl.u32 s15, $0x3;
	s0 =	sshrl.u32 s0, $0x3  }
0x1a: {  	s26 =	simm.s32 $0x3;
	s15 =	sadd.s32 s15, s17;
	s17 =	sadd.s32 s0, s17  }
.LBB2_1:
0x1b: {  	[tilespmem:s3], [sflag:$0x1] =	stream.linear.gather [hbm4b:s4+s3], $0xA0, $0x38;
	[tilespmem:$0x1F9C0] =	vst v63  }
0x1c: {  	s0 =	rddreg [dreg:$0x4]  }
0x1d: {  	[tilespmem:s18], [sflag:$0x2] =	stream.linear.gather [hbm4b:s0+s3], $0xA0, $0x38;
	[tilespmem:$0x1F9C0] =	vst v63  }
0x1e: {  	s0 =	simm.s32 @p0 $0x1FC7  }
0x1f: {  	[spmem:s19], [sflag:s0] =	dma.local @p0 [hbm:s7], $0x2A80  }
0x20: {  	s0 =	simm.s32 @p0 $0x7  }
0x21: {  	s1 =	stileid.u32;
	_ =	swait.ge @p0 [sflag:s0], $0x2A80  }
0x22: {  	s1 =	sshll.u32 @!p0 s1, $0x6;
	[sflag:s0] =	ssyncset.done @p0 $0x0  }
0x23: {  	[sflag:s0] =	ssyncadd.s32 @p0 $0xFFFFD580;
	s0 =	sor.u32 @!p0 $0x1C07, s1;
	s1 =	rddreg [dreg:$0x5]  }
0x24: {  	[spmem:s20], [sflag:s0] =	dma.local @!p0 [hbm:s1], $0x2B00  }
0x25: {  	s0 =	simm.s32 @!p0 $0x7  }
0x26: {  	_ =	swait.ge @!p0 [sflag:s0], $0x2B00  }
0x27: {  	[sflag:s0] =	ssyncset.done @!p0 $0x0  }
0x28: {  	[sflag:s0] =	ssyncadd.s32 @!p0 $0xFFFFD500  }
0x29: {  	[bflag:$0x0] =	sbarrier.arrive $0xFFFF  }
0x2a: {  	_ =	swait.ge [sflag:s21], $0xA0  }
0x2b: {  	[sflag:s21] =	ssyncset.done $0x0  }
0x2c: {  	[sflag:s21] =	ssyncadd.s32 $0xFFFFFF60  }
0x2d: {  	[tilespmem:s23], [sflag:$0x3] =	stream.indirect.gather [spmem:s2], $0x80, s3, s22, $0xb8;
	[tilespmem:$0x1F9C0] =	vst v63  }
0x2e: {  	_ =	swait.ge [sflag:s24], $0xA0  }
0x2f: {  	[sflag:s24] =	ssyncset.done $0x0  }
0x30: {  	[sflag:s24] =	ssyncadd.s32 $0xFFFFFF60  }
0x31: {  	[tilespmem:s25], [sflag:$0x4] =	stream.indirect.gather [spmem:s2], $0x80, s18, s22, $0xb8;
	[tilespmem:$0x1F9C0] =	vst v63  }
0x32: {  	_ =	swait.ge [sflag:s26], $0x5000  }
0x33: {  	[sflag:s26] =	ssyncset.done $0x0  }
0x34: {  	[sflag:s26] =	ssyncadd.s32 $0xFFFFB000  }
0x35: {  	[tilespmem:s3], [sflag:$0x1] =	stream.linear.gather [hbm4b:s8+s3], $0xA0, $0x38;
	[tilespmem:$0x1F9C0] =	vst v63  }
0x36: {  	_ = 	snop  }
0x37: {  	[hbm4b:s9+s3] =	stream.linear.scatter [tilespmem:s23], [sflag:$0x5], $0x5000, $0x38;
	[tilespmem:$0x1F9C0] =	vst v63  }
0x38: {  	_ =	swait.ge [sflag:s28], $0x5000  }
0x39: {  	[sflag:s28] =	ssyncset.done $0x0  }
0x3a: {  	[sflag:s28] =	ssyncadd.s32 $0xFFFFB000  }
0x3b: {  	_ =	swait.ge [sflag:s21], $0xA0  }
0x3c: {  	[sflag:s21] =	ssyncset.done $0x0  }
0x3d: {  	[sflag:s21] =	ssyncadd.s32 $0xFFFFFF60  }
0x3e: {  	[tilespmem:s23], [sflag:$0x3] =	stream.indirect.gather [spmem:s2], $0x80, s3, s22, $0xb8;
	[tilespmem:$0x1F9C0] =	vst v63  }
0x3f: {  	_ =	swait.ge [sflag:s29], $0x5000  }
0x40: {  	[sflag:s29] =	ssyncset.done $0x0  }
0x41: {  	s5 =	sadd.s32 $0x0, s17;
	[sflag:s29] =	ssyncadd.s32 $0xFFFFB000  }
0x42: {  	[tilespmem:s18], [sflag:$0x2] =	stream.linear.gather [hbm4b:s5+s3], $0xA0, $0x38;
	[tilespmem:$0x1F9C0] =	vst v63  }
0x43: {  	_ = 	snop  }
0x44: {  	[hbm4b:s16+s3] =	stream.linear.scatter [tilespmem:s25], [sflag:$0x6], $0x5000, $0x38;
	[tilespmem:$0x1F9C0] =	vst v63  }
0x45: {  	_ =	swait.ge [sflag:s30], $0x5000  }
0x46: {  	[sflag:s30] =	ssyncset.done $0x0  }
0x47: {  	[sflag:s30] =	ssyncadd.s32 $0xFFFFB000  }
0x48: {  	_ =	swait.ge [sflag:s24], $0xA0  }
0x49: {  	[sflag:s24] =	ssyncset.done $0x0  }
0x4a: {  	[sflag:s24] =	ssyncadd.s32 $0xFFFFFF60  }
0x4b: {  	[tilespmem:s25], [sflag:$0x4] =	stream.indirect.gather [spmem:s2], $0x80, s18, s22, $0xb8;
	[tilespmem:$0x1F9C0] =	vst v63  }
0x4c: {  	_ =	swait.ge [sflag:s26], $0x5000  }
0x4d: {  	s6 =	sadd.s32 $0x0, s15;
	s1 =	sadd.s32 $0x1400, s16;
	[sflag:s26] =	ssyncset.done $0x0  }
0x4e: {  	s0 =	simm.s32 $0x28;
	s5 =	sadd.s32 $0xA00, s16;
	[sflag:s26] =	ssyncadd.s32 $0xFFFFB000  }
0x4f: {  	[tilespmem:s3], [sflag:$0x1] =	stream.linear.gather [hbm4b:s6+s3], $0xA0, $0x38;
	[tilespmem:$0x1F9C0] =	vst v63  }
.LBB2_2:
0x50: {  	[hbm4b:s5+s3] =	stream.linear.scatter [tilespmem:s23], [sflag:$0x5], $0x5000, $0x38;
	[tilespmem:$0x1F9C0] =	vst v63  }
0x51: {  	s5 =	smov.u32 s0  }
0x52: {  	p1 =	sne.s32 s0, $0xC08;
	s0 =	sadd.s32 $0x28, s0;
	_ =	swait.ge [sflag:s28], $0x5000  }
0x53: {  	[sflag:s28] =	ssyncset.done $0x0  }
0x54: {  	[sflag:s28] =	ssyncadd.s32 $0xFFFFB000  }
0x55: {  	_ =	swait.ge [sflag:s21], $0xA0  }
0x56: {  	[sflag:s21] =	ssyncset.done $0x0  }
0x57: {  	[sflag:s21] =	ssyncadd.s32 $0xFFFFFF60  }
0x58: {  	[tilespmem:s23], [sflag:$0x3] =	stream.indirect.gather [spmem:s2], $0x80, s3, s22, $0xb8;
	[tilespmem:$0x1F9C0] =	vst v63  }
0x59: {  	_ =	swait.ge [sflag:s29], $0x5000  }
0x5a: {  	[sflag:s29] =	ssyncset.done $0x0  }
0x5b: {  	s6 =	sadd.s32 s5, s17;
	[sflag:s29] =	ssyncadd.s32 $0xFFFFB000  }
0x5c: {  	[tilespmem:s18], [sflag:$0x2] =	stream.linear.gather [hbm4b:s6+s3], $0xA0, $0x38;
	[tilespmem:$0x1F9C0] =	vst v63  }
0x5d: {  	_ = 	snop  }
0x5e: {  	[hbm4b:s1+s3] =	stream.linear.scatter [tilespmem:s25], [sflag:$0x6], $0x5000, $0x38;
	[tilespmem:$0x1F9C0] =	vst v63  }
0x5f: {  	_ =	swait.ge [sflag:s30], $0x5000  }
0x60: {  	[sflag:s30] =	ssyncset.done $0x0  }
0x61: {  	[sflag:s30] =	ssyncadd.s32 $0xFFFFB000  }
0x62: {  	_ =	swait.ge [sflag:s24], $0xA0  }
0x63: {  	[sflag:s24] =	ssyncset.done $0x0  }
0x64: {  	[sflag:s24] =	ssyncadd.s32 $0xFFFFFF60  }
0x65: {  	[tilespmem:s25], [sflag:$0x4] =	stream.indirect.gather [spmem:s2], $0x80, s18, s22, $0xb8;
	[tilespmem:$0x1F9C0] =	vst v63  }
.Ltmp0:
0x66: {  	_ =	swait.ge [sflag:s26], $0x5000;
	(pc) =	sbr.rel @p1 .LBB2_2-.Ltmp0, $4  }
0x67: {  	[sflag:s26] =	ssyncset.done $0x0  }
0x68: {  	s5 =	sadd.s32 s5, s15;
	[sflag:s26] =	ssyncadd.s32 $0xFFFFB000  }
0x69: {  	[tilespmem:s3], [sflag:$0x1] =	stream.linear.gather [hbm4b:s5+s3], $0xA0, $0x38;
	[tilespmem:$0x1F9C0] =	vst v63  }
0x6a: {  	s5 =	sadd.s32 $0xA00, s1;
	s1 =	sadd.s32 $0x1400, s1  }
0x6b: {  	[hbm4b:s5+s3] =	stream.linear.scatter [tilespmem:s23], [sflag:$0x5], $0x5000, $0x38;
	[tilespmem:$0x1F9C0] =	vst v63  }
0x6c: {  	_ =	swait.ge [sflag:s28], $0x5000  }
0x6d: {  	[sflag:s28] =	ssyncset.done $0x0  }
0x6e: {  	[sflag:s28] =	ssyncadd.s32 $0xFFFFB000  }
0x6f: {  	_ =	swait.ge [sflag:s21], $0xA0  }
0x70: {  	[sflag:s21] =	ssyncset.done $0x0  }
0x71: {  	[sflag:s21] =	ssyncadd.s32 $0xFFFFFF60  }
0x72: {  	[tilespmem:s23], [sflag:$0x3] =	stream.indirect.gather [spmem:s2], $0x80, s3, s22, $0xb8;
	[tilespmem:$0x1F9C0] =	vst v63  }
0x73: {  	_ =	swait.ge [sflag:s29], $0x5000  }
0x74: {  	[sflag:s29] =	ssyncset.done $0x0  }
0x75: {  	[sflag:s29] =	ssyncadd.s32 $0xFFFFB000  }
0x76: {  	[tilespmem:s18], [sflag:$0x2] =	stream.linear.gather [hbm4b:s10+s3], $0xA0, $0x38;
	[tilespmem:$0x1F9C0] =	vst v63  }
0x77: {  	_ = 	snop  }
0x78: {  	[hbm4b:s11+s3] =	stream.linear.scatter [tilespmem:s25], [sflag:$0x6], $0x5000, $0x38;
	[tilespmem:$0x1F9C0] =	vst v63  }
0x79: {  	_ =	swait.ge [sflag:s30], $0x5000  }
0x7a: {  	[sflag:s30] =	ssyncset.done $0x0  }
0x7b: {  	[sflag:s30] =	ssyncadd.s32 $0xFFFFB000  }
0x7c: {  	_ =	swait.ge [sflag:s24], $0xA0  }
0x7d: {  	[sflag:s24] =	ssyncset.done $0x0  }
0x7e: {  	[sflag:s24] =	ssyncadd.s32 $0xFFFFFF60  }
0x7f: {  	[tilespmem:s25], [sflag:$0x4] =	stream.indirect.gather [spmem:s2], $0x80, s18, s22, $0xb8;
	[tilespmem:$0x1F9C0] =	vst v63  }
0x80: {  	_ =	swait.ge [sflag:s26], $0x5000  }
0x81: {  	[sflag:s26] =	ssyncset.done $0x0  }
0x82: {  	[sflag:s26] =	ssyncadd.s32 $0xFFFFB000  }
0x83: {  	[hbm4b:s12+s3] =	stream.linear.scatter [tilespmem:s23], [sflag:$0x5], $0x5000, $0x38;
	[tilespmem:$0x1F9C0] =	vst v63  }
0x84: {  	_ =	swait.ge [sflag:s29], $0x5000  }
0x85: {  	[sflag:s29] =	ssyncset.done $0x0  }
0x86: {  	s31 =	sadd.s32 $0x1, s31;
	[sflag:s29] =	ssyncadd.s32 $0xFFFFB000  }
0x87: {  	[hbm4b:s13+s3] =	stream.linear.scatter [tilespmem:s25], [sflag:$0x6], $0x5000, $0x38;
	[tilespmem:$0x1F9C0] =	vst v63  }
0x88: {  	p1 =	sne.s32 s31, s14;
	_ =	swait.ge [sflag:s28], $0x5000  }
.Ltmp1:
0x89: {  	[sflag:s28] =	ssyncset.done $0x0;
	(pc) =	sbr.rel @p1 .LBB2_1-.Ltmp1, $4  }
0x8a: {  	[sflag:s28] =	ssyncadd.s32 $0xFFFFB000  }
0x8b: {  	_ =	swait.ge [sflag:s30], $0x5000  }
0x8c: {  	[sflag:s30] =	ssyncset.done $0x0  }
0x8d: {  	[sflag:s30] =	ssyncadd.s32 $0xFFFFB000  }
0x8e: {  	_ =	sfence.sel $0x180000  }
0x8f: {  	[bflag:$0x0] =	sbarrier.arrive $0xFFFF  }
0x90: {  	_ =	strace $0x90000047  }
0x91: {  	s0 =	stileid.u32;
	[bflag:$0x2] =	sbarrier.arrive $0xFFFF  }
0x92: {  	p0 =	sne.s32 s0, $0x0;
	s0 =	rddreg [dreg:$0x3]  }
0x93: {  	s0 =	sadd.s32 @!p0 $0x100000, s0  }
0x94: {  	[sflag:s0] =	ssyncadd.tile.s32 @!p0 $0x1;
	_ =	shalt  }
.Lfunc_end2:
_tile_overlayer_lowered:
.L_overlay_start_2:
0x95: {  	(tag) =	ssettag $0x2  }
0x96: {  	s0 =	rddreg [dreg:$0x0];
	s2 =	stileid.u32  }
0x97: {  	s1 =	rddreg [dreg:$0x1];
	p0 =	sne.s32 s2, $0x0  }
0x98: {  	s3 =	rddreg [dreg:$0x2];
	[bflag:$0x3] =	sbarrier.arrive $0xFFFF;
	s2 =	simm.s32 @!p0 $0x1C07  }
0x99: {  	[timem:s3], [sflag:s2] =	dma.local @!p0 [hbm:s0], s1  }
0x9a: {  	s0 =	simm.s32 @!p0 $0x7  }
0x9b: {  	_ =	swait.ge @!p0 [sflag:s0], s1  }
0x9c: {  	s1 =	ssub.s32 @!p0 $0x0, s1;
	[sflag:s0] =	ssyncset.done @!p0 $0x0  }
0x9d: {  	[sflag:s0] =	ssyncadd.s32 @!p0 s1  }
0x9e: {  	[bflag:$0x3] =	sbarrier.arrive $0xFFFF  }
0x9f: {  	_ =	shalt  }

</sc_bundles>
